<compile_context>
chip_gen: v7x
topology: tpu7x:2x2x1
jax: 0.10.2.dev20260603
libtpu: 0.0.44.dev20260713+nightly
codegen_flags: <defaults>
</compile_context>

<pallas_src>
import functools
import jax
import jax.numpy as jnp
from jax import lax
from jax.experimental import pallas as pl
from jax.experimental.pallas import tpu as pltpu
from jax.experimental.pallas import tpu_sc as plsc


def _make_sc_gather(T, D):
    NW = 32
    b_per_w = T // NW
    CH = 128
    mesh = plsc.VectorSubcoreMesh(core_axis_name="c", subcore_axis_name="s")

    @functools.partial(
        pl.kernel, mesh=mesh,
        out_type=jax.ShapeDtypeStruct((T, D), jnp.float32),
        scratch_types=[
            pltpu.VMEM((CH,), jnp.int32),
            pltpu.VMEM((CH, D), jnp.float32),
            pltpu.SemaphoreType.DMA,
        ],
    )
    def sc_gather(table_hbm, idx_hbm, out_hbm, idx_v, rows_v, sem):
        wid = lax.axis_index("s") * 2 + lax.axis_index("c")
        base = wid * b_per_w
        for ch in range(b_per_w // CH):
            off = base + ch * CH
            pltpu.sync_copy(idx_hbm.at[pl.ds(off, CH)], idx_v)
            pltpu.async_copy(table_hbm.at[idx_v], rows_v, sem).wait()
            pltpu.sync_copy(rows_v, out_hbm.at[pl.ds(off, CH)])

    return sc_gather


def kernel(input_ids, token_emb, pos_emb, row_emb_w, col_emb_w, W_spatial,
           gamma, beta):
    B, T = input_ids.shape
    D = pos_emb.shape[1]
    ids = input_ids.astype(jnp.int32)
    table = jnp.pad(token_emb, ((0, 128 - token_emb.shape[0]), (0, 0)))
    return _make_sc_gather(T, D)(table, ids[1])

# --- scband reference (transcript-rebuilt; emitter-appended) ---
"""Pipeline reference for scband-arcembeddings-81458349736646 (READ-ONLY COPY).

The authoritative reference and input builder live on the scoring server;
editing this copy changes nothing except your own understanding.
"""

import jax, jax.numpy as jnp
import numpy as np

PAD_TOKEN = 10
BOS_TOKEN = 11
EOS_TOKEN = 12
SEP_TOKEN = 13
ROW_TOKEN = 14
MAX_H = 30
MAX_W = 30
LN_EPS = 1e-5


def _build_2d_position_ids(input_ids):
    # Faithful to the torch reference, including the early `return` inside the
    # batch loop: only batch row 0 is filled, all other rows stay zero.
    B, T = input_ids.shape

    def step(carry, tok):
        row, col, in_grid = carry
        is_bos = tok == BOS_TOKEN
        is_sep = tok == SEP_TOKEN
        is_rowt = tok == ROW_TOKEN
        is_end = (tok == EOS_TOKEN) | (tok == PAD_TOKEN)
        is_color = in_grid & (~is_bos) & (~is_sep) & (~is_rowt) & (~is_end) & (tok >= 0) & (tok <= 9)
        row_out = jnp.where(is_color, row, 0)
        col_out = jnp.where(is_color, col, 0)
        new_in_grid = jnp.where(is_bos, True, jnp.where(is_end, False, in_grid))
        new_row = jnp.where(is_bos | is_sep, 0, jnp.where(is_rowt, row + 1, row))
        new_col = jnp.where(is_bos | is_sep | is_rowt, 0, jnp.where(is_color, col + 1, col))
        return (new_row, new_col, new_in_grid), (row_out, col_out)

    init = (jnp.int32(0), jnp.int32(0), jnp.bool_(False))
    _, (r0, c0) = jax.lax.scan(step, init, input_ids[0].astype(jnp.int32))
    r0 = jnp.clip(r0, 0, MAX_H - 1)
    c0 = jnp.clip(c0, 0, MAX_W - 1)
    row_ids = jnp.zeros((B, T), dtype=jnp.int32).at[0].set(r0)
    col_ids = jnp.zeros((B, T), dtype=jnp.int32).at[0].set(c0)
    return row_ids, col_ids


def setup_inputs(seed: int = 0) -> dict:
    key = jax.random.key(seed)
    ks = jax.random.split(key, 8)
    B, T, D = 4, 8192, 768
    vocab = 15
    input_ids = jax.random.randint(ks[0], (B, T), 0, vocab).astype(jnp.int64)
    token_emb = 0.02 * jax.random.normal(ks[1], (vocab, D), dtype=jnp.float32)
    token_emb = token_emb.at[PAD_TOKEN].set(0.0)  # padding_idx
    pos_emb = 0.02 * jax.random.normal(ks[2], (T, D), dtype=jnp.float32)
    row_emb_w = 0.02 * jax.random.normal(ks[3], (MAX_H, D // 2), dtype=jnp.float32)
    col_emb_w = 0.02 * jax.random.normal(ks[4], (MAX_W, D // 2), dtype=jnp.float32)
    W_spatial = jax.random.normal(ks[5], (D, D), dtype=jnp.float32) / np.sqrt(D)
    gamma = jnp.ones((D,), dtype=jnp.float32)
    beta = jnp.zeros((D,), dtype=jnp.float32)
    return {"input_ids": input_ids, "token_emb": token_emb, "pos_emb": pos_emb,
            "row_emb_w": row_emb_w, "col_emb_w": col_emb_w, "W_spatial": W_spatial,
            "gamma": gamma, "beta": beta}


def reference(input_ids, token_emb, pos_emb, row_emb_w, col_emb_w, W_spatial, gamma, beta):
    B, T = input_ids.shape
    ids = input_ids.astype(jnp.int32)
    tok_e = jnp.take(token_emb, ids, axis=0)              # (B, T, D)
    positions = jnp.arange(T)
    pos_e = jnp.take(pos_emb, positions, axis=0)[None]    # (1, T, D)
    row_ids, col_ids = _build_2d_position_ids(ids)
    r_e = jnp.take(row_emb_w, row_ids, axis=0)            # (B, T, D/2)
    c_e = jnp.take(col_emb_w, col_ids, axis=0)            # (B, T, D/2)
    spatial = jnp.concatenate([r_e, c_e], axis=-1) @ W_spatial.T
    mask = ((ids >= 0) & (ids <= 9))[..., None].astype(jnp.float32)
    x = tok_e + pos_e + spatial * mask
    mu = jnp.mean(x, axis=-1, keepdims=True)
    var = jnp.mean(jnp.square(x - mu), axis=-1, keepdims=True)
    x = (x - mu) / jnp.sqrt(var + LN_EPS) * gamma + beta
    # dropout is identity in eval mode
    return x

if __name__ == "__main__":
    import jax
    _d = setup_inputs()
    print(jax.jit(kernel)(*tuple(_d.values())))

</pallas_src>

<mosaic_0001>
#map = affine_map<(d0, d1) -> (0, 0)>
#map1 = affine_map<(d0, d1) -> (0)>
module attributes {stable_mosaic.version = 14 : i64} {
  func.func @sc_gather(%arg0: i32, %arg1: i32, %arg2: memref<128x768xf32, #tpu.memory_space<hbm>>, %arg3: memref<8192xi32, #tpu.memory_space<hbm>>, %arg4: memref<8192x768xf32, #tpu.memory_space<hbm>>, %arg5: memref<128xi32, #tpu.memory_space<vmem>>, %arg6: memref<128x768xf32, #tpu.memory_space<vmem>>, %arg7: memref<!tpu.dma_semaphore, #tpu.memory_space<semaphore_mem>>) attributes {dimension_semantics = [#tpu.dimension_semantics<core_parallel>, #tpu.dimension_semantics<subcore_parallel>], iteration_bounds = array<i64: 2, 16>, scalar_prefetch = 0 : i64, scratch_operands = 3 : i64, tpu.core_type = #tpu.core_type<sc_vector_subcore>, window_params = [{transform_indices = #map}, {transform_indices = #map1}, {transform_indices = #map}]} {
    %mul3A = arith.constant 2 : i32
    %mul3A_0 = arith.muli %arg1, %mul3A : i32
    %add3A = arith.addi %mul3A_0, %arg0 : i32
    %mul3A_1 = arith.constant 256 : i32
    %mul3A_2 = arith.muli %add3A, %mul3A_1 : i32
    %add3A_3 = arith.constant 0 : i32
    %add3A_4 = arith.addi %mul3A_2, %add3A_3 : i32
    "tpu.region"() ({
      %run_scoped3A = tpu.sem_alloc : memref<!tpu.dma_semaphore, #tpu.memory_space<semaphore_mem>>
      %dma_start3A_17 = tpu.memref_slice %arg3[%add3A_4] : memref<8192xi32, #tpu.memory_space<hbm>> -> memref<128xi32, #tpu.memory_space<hbm>>
      %dma_start3A_18 = tpu.memref_slice %arg3[%add3A_4] : memref<8192xi32, #tpu.memory_space<hbm>> -> memref<128xi32, #tpu.memory_space<hbm>>
      tpu.enqueue_dma source(%dma_start3A_18 : memref<128xi32, #tpu.memory_space<hbm>>) target(%arg5 : memref<128xi32, #tpu.memory_space<vmem>>) target_semaphore(%run_scoped3A : memref<!tpu.dma_semaphore, #tpu.memory_space<semaphore_mem>>)
      %dma_wait3A_19 = tpu.memref_slice %arg3[%add3A_4] : memref<8192xi32, #tpu.memory_space<hbm>> -> memref<128xi32, #tpu.memory_space<hbm>>
      %dma_wait3A_20 = tpu.memref_slice %arg3[%add3A_4] : memref<8192xi32, #tpu.memory_space<hbm>> -> memref<128xi32, #tpu.memory_space<hbm>>
      tpu.wait_dma2 semaphore(%run_scoped3A : memref<!tpu.dma_semaphore, #tpu.memory_space<semaphore_mem>>) src(%dma_wait3A_20 : memref<128xi32, #tpu.memory_space<hbm>>) dst(%arg5 : memref<128xi32, #tpu.memory_space<vmem>>)
      tpu.yield
    }) : () -> ()
    %dma_start3A = arith.constant 0 : i32
    %dma_start3A_5 = arith.constant 0 : i32
    %dma_start3A_6 = tpu.memref_slice %arg2[%dma_start3A, %dma_start3A_5] : memref<128x768xf32, #tpu.memory_space<hbm>> -> memref<128x768xf32, #tpu.memory_space<hbm>>
    tpu.enqueue_indirect_dma source(%dma_start3A_6 : memref<128x768xf32, #tpu.memory_space<hbm>>) target(%arg6 : memref<128x768xf32, #tpu.memory_space<vmem>>) offsets(%arg5 : memref<128xi32, #tpu.memory_space<vmem>>) semaphore(%arg7 : memref<!tpu.dma_semaphore, #tpu.memory_space<semaphore_mem>>)
    %dma_wait3A = arith.constant 0 : i32
    %dma_wait3A_7 = arith.constant 0 : i32
    %dma_wait3A_8 = tpu.memref_slice %arg2[%dma_wait3A, %dma_wait3A_7] : memref<128x768xf32, #tpu.memory_space<hbm>> -> memref<128x768xf32, #tpu.memory_space<hbm>>
    tpu.wait_indirect_dma semaphore(%arg7 : memref<!tpu.dma_semaphore, #tpu.memory_space<semaphore_mem>>) src(%dma_wait3A_8 : memref<128x768xf32, #tpu.memory_space<hbm>>) dst(%arg6 : memref<128x768xf32, #tpu.memory_space<vmem>>)
    "tpu.region"() ({
      %run_scoped3A = tpu.sem_alloc : memref<!tpu.dma_semaphore, #tpu.memory_space<semaphore_mem>>
      %dma_start3A_17 = arith.constant 0 : i32
      %dma_start3A_18 = tpu.memref_slice %arg4[%add3A_4, %dma_start3A_17] : memref<8192x768xf32, #tpu.memory_space<hbm>> -> memref<128x768xf32, #tpu.memory_space<hbm>>
      %dma_start3A_19 = arith.constant 0 : i32
      %dma_start3A_20 = tpu.memref_slice %arg4[%add3A_4, %dma_start3A_19] : memref<8192x768xf32, #tpu.memory_space<hbm>> -> memref<128x768xf32, #tpu.memory_space<hbm>>
      tpu.enqueue_dma source(%arg6 : memref<128x768xf32, #tpu.memory_space<vmem>>) target(%dma_start3A_20 : memref<128x768xf32, #tpu.memory_space<hbm>>) target_semaphore(%run_scoped3A : memref<!tpu.dma_semaphore, #tpu.memory_space<semaphore_mem>>)
      %dma_wait3A_21 = arith.constant 0 : i32
      %dma_wait3A_22 = tpu.memref_slice %arg4[%add3A_4, %dma_wait3A_21] : memref<8192x768xf32, #tpu.memory_space<hbm>> -> memref<128x768xf32, #tpu.memory_space<hbm>>
      %dma_wait3A_23 = arith.constant 0 : i32
      %dma_wait3A_24 = tpu.memref_slice %arg4[%add3A_4, %dma_wait3A_23] : memref<8192x768xf32, #tpu.memory_space<hbm>> -> memref<128x768xf32, #tpu.memory_space<hbm>>
      tpu.wait_dma2 semaphore(%run_scoped3A : memref<!tpu.dma_semaphore, #tpu.memory_space<semaphore_mem>>) src(%arg6 : memref<128x768xf32, #tpu.memory_space<vmem>>) dst(%dma_wait3A_24 : memref<128x768xf32, #tpu.memory_space<hbm>>)
      tpu.yield
    }) : () -> ()
    %add3A_9 = arith.constant 128 : i32
    %add3A_10 = arith.addi %mul3A_2, %add3A_9 : i32
    "tpu.region"() ({
      %run_scoped3A = tpu.sem_alloc : memref<!tpu.dma_semaphore, #tpu.memory_space<semaphore_mem>>
      %dma_start3A_17 = tpu.memref_slice %arg3[%add3A_10] : memref<8192xi32, #tpu.memory_space<hbm>> -> memref<128xi32, #tpu.memory_space<hbm>>
      %dma_start3A_18 = tpu.memref_slice %arg3[%add3A_10] : memref<8192xi32, #tpu.memory_space<hbm>> -> memref<128xi32, #tpu.memory_space<hbm>>
      tpu.enqueue_dma source(%dma_start3A_18 : memref<128xi32, #tpu.memory_space<hbm>>) target(%arg5 : memref<128xi32, #tpu.memory_space<vmem>>) target_semaphore(%run_scoped3A : memref<!tpu.dma_semaphore, #tpu.memory_space<semaphore_mem>>)
      %dma_wait3A_19 = tpu.memref_slice %arg3[%add3A_10] : memref<8192xi32, #tpu.memory_space<hbm>> -> memref<128xi32, #tpu.memory_space<hbm>>
      %dma_wait3A_20 = tpu.memref_slice %arg3[%add3A_10] : memref<8192xi32, #tpu.memory_space<hbm>> -> memref<128xi32, #tpu.memory_space<hbm>>
      tpu.wait_dma2 semaphore(%run_scoped3A : memref<!tpu.dma_semaphore, #tpu.memory_space<semaphore_mem>>) src(%dma_wait3A_20 : memref<128xi32, #tpu.memory_space<hbm>>) dst(%arg5 : memref<128xi32, #tpu.memory_space<vmem>>)
      tpu.yield
    }) : () -> ()
    %dma_start3A_11 = arith.constant 0 : i32
    %dma_start3A_12 = arith.constant 0 : i32
    %dma_start3A_13 = tpu.memref_slice %arg2[%dma_start3A_11, %dma_start3A_12] : memref<128x768xf32, #tpu.memory_space<hbm>> -> memref<128x768xf32, #tpu.memory_space<hbm>>
    tpu.enqueue_indirect_dma source(%dma_start3A_13 : memref<128x768xf32, #tpu.memory_space<hbm>>) target(%arg6 : memref<128x768xf32, #tpu.memory_space<vmem>>) offsets(%arg5 : memref<128xi32, #tpu.memory_space<vmem>>) semaphore(%arg7 : memref<!tpu.dma_semaphore, #tpu.memory_space<semaphore_mem>>)
    %dma_wait3A_14 = arith.constant 0 : i32
    %dma_wait3A_15 = arith.constant 0 : i32
    %dma_wait3A_16 = tpu.memref_slice %arg2[%dma_wait3A_14, %dma_wait3A_15] : memref<128x768xf32, #tpu.memory_space<hbm>> -> memref<128x768xf32, #tpu.memory_space<hbm>>
    tpu.wait_indirect_dma semaphore(%arg7 : memref<!tpu.dma_semaphore, #tpu.memory_space<semaphore_mem>>) src(%dma_wait3A_16 : memref<128x768xf32, #tpu.memory_space<hbm>>) dst(%arg6 : memref<128x768xf32, #tpu.memory_space<vmem>>)
    "tpu.region"() ({
      %run_scoped3A = tpu.sem_alloc : memref<!tpu.dma_semaphore, #tpu.memory_space<semaphore_mem>>
      %dma_start3A_17 = arith.constant 0 : i32
      %dma_start3A_18 = tpu.memref_slice %arg4[%add3A_10, %dma_start3A_17] : memref<8192x768xf32, #tpu.memory_space<hbm>> -> memref<128x768xf32, #tpu.memory_space<hbm>>
      %dma_start3A_19 = arith.constant 0 : i32
      %dma_start3A_20 = tpu.memref_slice %arg4[%add3A_10, %dma_start3A_19] : memref<8192x768xf32, #tpu.memory_space<hbm>> -> memref<128x768xf32, #tpu.memory_space<hbm>>
      tpu.enqueue_dma source(%arg6 : memref<128x768xf32, #tpu.memory_space<vmem>>) target(%dma_start3A_20 : memref<128x768xf32, #tpu.memory_space<hbm>>) target_semaphore(%run_scoped3A : memref<!tpu.dma_semaphore, #tpu.memory_space<semaphore_mem>>)
      %dma_wait3A_21 = arith.constant 0 : i32
      %dma_wait3A_22 = tpu.memref_slice %arg4[%add3A_10, %dma_wait3A_21] : memref<8192x768xf32, #tpu.memory_space<hbm>> -> memref<128x768xf32, #tpu.memory_space<hbm>>
      %dma_wait3A_23 = arith.constant 0 : i32
      %dma_wait3A_24 = tpu.memref_slice %arg4[%add3A_10, %dma_wait3A_23] : memref<8192x768xf32, #tpu.memory_space<hbm>> -> memref<128x768xf32, #tpu.memory_space<hbm>>
      tpu.wait_dma2 semaphore(%run_scoped3A : memref<!tpu.dma_semaphore, #tpu.memory_space<semaphore_mem>>) src(%arg6 : memref<128x768xf32, #tpu.memory_space<vmem>>) dst(%dma_wait3A_24 : memref<128x768xf32, #tpu.memory_space<hbm>>)
      tpu.yield
    }) : () -> ()
    return
  }
}

</mosaic_0001>

<sc_bundles>
// kernel: kernel.3.cloned.1.call-start
scs
__scs_entry_jumppad:
0x0: {  	(pc) =	sbr.rel $0x88, $3  }
0x1: {  	(tag) =	ssettag $0x0;
	lr =	simm.s32 $0x1  }
0x2: {  	[smem:$0x3F9F] =	sst lr;
	_ =	strace $0xD0000000  }
0x3: {  	_ = 	snop  }
0x4: {  	_ = 	snop  }
0x5: {  	_ = 	snop  }
0x6: {  	_ = 	snop  }
0x7: {  	_ = 	snop  }
__scs_overlays_trampoline_lowered:
0x8: {  	[smem:$0x3FAE] =	sst s0  }
0x9: {  	[smem:$0x3FAF] =	sst s1  }
0xa: {  	[smem:$0x3FB0] =	sst s2  }
0xb: {  	[smem:$0x3FB1] =	sst s3  }
0xc: {  	[smem:$0x3FB2] =	sst s4  }
0xd: {  	[smem:$0x3FB3] =	sst s5  }
0xe: {  	[smem:$0x3FB4] =	sst s6  }
0xf: {  	[smem:$0x3FB5] =	sst s7  }
0x10: {  	[smem:$0x3FB6] =	sst s8  }
0x11: {  	[smem:$0x3FB7] =	sst s9;
	s0 =	simm.s32 @!p0 $0x0  }
0x12: {  	s1 =	sld [smem:$0x3F9D];
	s0 =	simm.s32 @p0 $0x1  }
0x13: {  	[smem:$0x3FB8] =	sst s0;
	s0 =	simm.s32 @!p1 $0x0  }
0x14: {  	s2 =	sld [smem:$0x3F9C];
	s0 =	simm.s32 @p1 $0x1  }
0x15: {  	[smem:$0x3FB9] =	sst s0;
	s0 =	simm.s32 @!p2 $0x0  }
0x16: {  	s3 =	sld [smem:$0x3FDB];
	s0 =	simm.s32 @p2 $0x1  }
0x17: {  	s4 =	simm.s32 $0x1BF5;
	[smem:$0x3FBB] =	sst s0  }
0x18: {  	s0 =	sld [smem:$0x3F9E];
	_ =	swait.ge [sflag:s4], $0x0  }
0x19: {  	s7 =	sld [smem:$0x3F9F]  }
0x1a: {  	s8 =	sadd.s32 $0xFFFFE003, lr  }
0x1b: {  	s9 =	sadd.s32 $0xFFFFFEF7, lr;
	s5 =	simm.s32 $0xFFFFFFFF;
	p2 =	slt.u32 s8, $0xFFFFF086  }
0x1c: {  	p1 =	slt.u32 s9, $0xF7A;
	s5 =	simm.s32 @!p2 $0x0  }
0x1d: {  	s5 =	simm.s32 @p1 $0x1;
	p0 =	seq.s32 s7, s2  }
0x1e: {  	s7 =	smul.u32 @!p0 $0xF7A, s2;
	p2 =	seq.s32 @!p0 s5, $0x0  }
0x1f: {  	s9 =	smul.u32 $0xF7A, s1;
	s8 =	simm.s32 @!p0 $0x1BF5;
	p2 =	por !p2, p0  }
0x20: {  	[sflag:s8] =	ssyncset.s32 @!p0 $0xFFFFF086;
	s6 =	sadd.s32 @!p0 s3, s7;
	s7 =	simm.s32 @!p0 $0x108  }
0x21: {  	s3 =	sadd.s32 s3, s9;
	s6 =	sadd.s32 @!p0 $0x88, s6;
	s7 =	simm.s32 @p2 $0x1082  }
0x22: {  	[simem:s7], [sflag:s8] =	dma.local @!p0 [hbm:s6], $0xF7A  }
0x23: {  	s9 =	sor.u32 $0xD0000000, s2;
	s6 =	simm.s32 $0x108;
	_ =	swait.ge @!p0 [sflag:s8], $0x0  }
0x24: {  	s3 =	sadd.s32 $0x88, s3;
	s6 =	simm.s32 @!p1 $0x1082;
	[sflag:s4] =	ssyncset.s32 $0xFFFFF086  }
0x25: {  	[simem:s6], [sflag:s4] =	dma.local [hbm:s3], $0xF7A  }
0x26: {  	[smem:$0x3F9F] =	sst s1;
	(tag) =	ssettag s2;
	_ =	strace s9  }
0x27: {  	s1 =	sld [smem:$0x3FAF]  }
0x28: {  	s2 =	sld [smem:$0x3FB0]  }
0x29: {  	s4 =	sld [smem:$0x3FB2]  }
0x2a: {  	p0 =	seq.s32 s5, $0x0;
	s5 =	sld [smem:$0x3FB3]  }
0x2b: {  	s6 =	sld [smem:$0x3FB4]  }
0x2c: {  	s7 =	sld [smem:$0x3FB5]  }
0x2d: {  	s3 =	simm.s32 $0x108;
	s8 =	sld [smem:$0x3FB6]  }
0x2e: {  	s3 =	simm.s32 @!p0 $0x1082;
	s9 =	sld [smem:$0x3FB7]  }
0x2f: {  	lr =	sadd.s32 s0, s3;
	s0 =	sld [smem:$0x3FAE]  }
0x30: {  	s3 =	sld [smem:$0x3FB1]  }
0x31: {  	[smem:$0x3FBA] =	sst s10  }
0x32: {  	s10 =	sld [smem:$0x3FB8];
	_ =	sdelay $0x3  }
0x33: {  	p0 =	seq.s32 s10, $0x1;
	s10 =	sld [smem:$0x3FBA];
	_ =	sdelay $0x3  }
0x34: {  	[smem:$0x3FBA] =	sst s10  }
0x35: {  	s10 =	sld [smem:$0x3FB9];
	_ =	sdelay $0x3  }
0x36: {  	p1 =	seq.s32 s10, $0x1;
	s10 =	sld [smem:$0x3FBA];
	_ =	sdelay $0x3  }
0x37: {  	[smem:$0x3FBA] =	sst s10  }
0x38: {  	s10 =	sld [smem:$0x3FBB]  }
0x39: {  	_ = 	snop;
	(pc) =	sbr.ind lr, $3  }
0x3a: {  	_ = 	snop  }
0x3b: {  	_ = 	snop  }
0x3c: {  	p2 =	seq.s32 s10, $0x1;
	s10 =	sld [smem:$0x3FBA]  }
0x3d: {  	_ =	shalt  }
0x3e: {  	_ =	shalt  }
0x3f: {  	_ =	shalt  }
0x40: {  	_ =	shalt  }
0x41: {  	_ =	shalt  }
0x42: {  	_ =	shalt  }
0x43: {  	_ =	shalt  }
0x44: {  	_ =	shalt  }
0x45: {  	_ =	shalt  }
0x46: {  	_ =	shalt  }
0x47: {  	_ =	shalt  }
0x48: {  	_ =	shalt  }
0x49: {  	_ =	shalt  }
0x4a: {  	_ =	shalt  }
0x4b: {  	_ =	shalt  }
0x4c: {  	_ =	shalt  }
0x4d: {  	_ =	shalt  }
0x4e: {  	_ =	shalt  }
0x4f: {  	_ =	shalt  }
0x50: {  	_ =	shalt  }
0x51: {  	_ =	shalt  }
0x52: {  	_ =	shalt  }
0x53: {  	_ =	shalt  }
0x54: {  	_ =	shalt  }
0x55: {  	_ =	shalt  }
0x56: {  	_ =	shalt  }
0x57: {  	_ =	shalt  }
0x58: {  	_ =	shalt  }
0x59: {  	_ =	shalt  }
0x5a: {  	_ =	shalt  }
0x5b: {  	_ =	shalt  }
0x5c: {  	_ =	shalt  }
0x5d: {  	_ =	shalt  }
0x5e: {  	_ =	shalt  }
0x5f: {  	_ =	shalt  }
0x60: {  	_ =	shalt  }
0x61: {  	_ =	shalt  }
0x62: {  	_ =	shalt  }
0x63: {  	_ =	shalt  }
0x64: {  	_ =	shalt  }
0x65: {  	_ =	shalt  }
0x66: {  	_ =	shalt  }
0x67: {  	_ =	shalt  }
0x68: {  	_ =	shalt  }
0x69: {  	_ =	shalt  }
0x6a: {  	_ =	shalt  }
0x6b: {  	_ =	shalt  }
0x6c: {  	_ =	shalt  }
0x6d: {  	_ =	shalt  }
0x6e: {  	_ =	shalt  }
0x6f: {  	_ =	shalt  }
0x70: {  	_ =	shalt  }
0x71: {  	_ =	shalt  }
0x72: {  	_ =	shalt  }
0x73: {  	_ =	shalt  }
0x74: {  	_ =	shalt  }
0x75: {  	_ =	shalt  }
0x76: {  	_ =	shalt  }
0x77: {  	_ =	shalt  }
0x78: {  	_ =	shalt  }
0x79: {  	_ =	shalt  }
0x7a: {  	_ =	shalt  }
0x7b: {  	_ =	shalt  }
0x7c: {  	_ =	shalt  }
0x7d: {  	_ =	shalt  }
0x7e: {  	_ =	shalt  }
0x7f: {  	_ =	shalt  }
0x80: {  	_ =	shalt  }
0x81: {  	_ =	shalt  }
0x82: {  	_ =	shalt  }
0x83: {  	_ =	shalt  }
0x84: {  	_ =	shalt  }
0x85: {  	_ =	shalt  }
0x86: {  	_ =	shalt  }
0x87: {  	_ =	shalt  }
.Lfunc_end0:
.L_simem_size_0:
called_computation_lowered:
.L_overlay_start_0:
0x88: {  	s2 =	sld [smem:$0x3FD9]  }
0x89: {  	s3 =	sld [smem:$0x3FFE];
	_ =	sdelay $0x1  }
0x8a: {  	s1 =	srdreg.scid  }
0x8b: {  	s0 =	sand.u32 $0x1, s1  }
0x8c: {  	s17 =	sshll.u32 s0, $0xA;
	s2 =	sadd.s32 s3, s2  }
0x8d: {  	s2 =	sadd.s32 s2, s17  }
0x8e: {  	[smem:$0x3FC6] =	sst s2  }
0x8f: {  	_ = 	snop  }
0x90: {  	s2 =	sld [smem:$0x3FD0];
	(tm) =	ssettm $0x1  }
0x91: {  	s18 =	sld [smem:$0x3FFB];
	_ =	sdelay $0x3  }
0x92: {  	_ =	strace s18  }
0x93: {  	s3 =	sld [smem:$0x3FFC];
	_ =	sdelay $0x3  }
0x94: {  	_ =	strace s3  }
0x95: {  	s3 =	sld [smem:$0x3FFD];
	_ =	sdelay $0x3  }
0x96: {  	_ =	strace s3  }
0x97: {  	_ =	strace $0x8FFFFFFF  }
0x98: {  	s19 =	sld [smem:$0x3FDB];
	_ =	sdelay $0x1  }
0x99: {  	s4 =	simm.s32 $_scs_section_size  }
0x9a: {  	s5 =	simm.s32 $_size__tile_overlayer_lowered;
	s6 =	simm.s32 $_tile_overlayer_lowered  }
0x9b: {  	s22 =	simm.s32 $0x1BFF;
	s21 =	sshll.u32 s6, $0x1;
	s3 =	sadd.s32 s4, s19  }
0x9c: {  	s7 =	simm.s32 $0x0;
	s20 =	sshll.u32 s5, $0x1;
	s5 =	sadd.s32 s21, s3  }
0x9d: {  	[timem:s7], [sflag:s22] =	dma.local [hbm:s5], s20  }
0x9e: {  	_ =	swait.ge [sflag:s22], s20  }
0x9f: {  	s4 =	ssub.s32 $0x0, s20;
	[sflag:s22] =	ssyncset.done $0x0  }
0xa0: {  	[sflag:s22] =	ssyncadd.s32 s4;
	_ =	sdelay $0x1  }
0xa1: {  	s23 =	simm.s32 $0x1B8B  }
0xa2: {  	_ =	swait.ge [sflag:s23], $0x1  }
0xa3: {  	[sflag:s23] =	ssyncset.done $0x0  }
0xa4: {  	s25 =	simm.s32 $0x1B8E;
	s24 =	sld [smem:$0x3FFE];
	[sflag:s23] =	ssyncadd.s32 $0xFFFFFFFF  }
0xa5: {  	s26 =	simm.s32 $execute0_lowered;
	[smem:$0x3FD2] =	sst s25  }
0xa6: {  	s5 =	sshll.u32 s26, $0x1;
	_ =	strace $0x80000046;
	[dreg:$0x1] =	wrdreg $0xFFFFFFFF  }
0xa7: {  	s28 =	simm.s32 $_size_execute0_lowered;
	s3 =	sadd.s32 s3, s5;
	[dreg:$0x0] =	wrdreg $0x0  }
0xa8: {  	s5 =	sshll.u32 s28, $0x1;
	[dreg:$0x2] =	wrdreg s3  }
0xa9: {  	[dreg:$0x3] =	wrdreg s5  }
0xaa: {  	[dreg:$0x4] =	wrdreg $0xC0  }
0xab: {  	_ =	task [dreg:s7], $0x5FFFF  }
0xac: {  	[dreg:$0x1] =	wrdreg $0xFFFFFFFF  }
0xad: {  	[dreg:$0x0] =	wrdreg $0x60  }
0xae: {  	[dreg:$0x2] =	wrdreg s24  }
0xaf: {  	[dreg:$0x3] =	wrdreg s2  }
0xb0: {  	[dreg:$0x4] =	wrdreg $0x9  }
0xb1: {  	_ =	task.clear_ibuf [dreg:s7], $0x5FFFF;
	_ =	strace $0x90000046  }
0xb2: {  	s29 =	simm.s32 $0x9;
	_ =	strace $0x80000048  }
0xb3: {  	_ =	swait.ge [sflag:s29], $0x1  }
0xb4: {  	[sflag:s29] =	ssyncadd.s32 $0xFFFFFFFF  }
0xb5: {  	_ =	strace $0x90000048  }
0xb6: {  	_ =	sfence  }
0xb7: {  	s30 =	sld [smem:$0x0];
	_ =	sdelay $0x2  }
0xb8: {  	s31 =	sshll.u32 s1, $0xD;
	s1 =	sshrl.u32 s1, $0x2  }
0xb9: {  	s3 =	sand.u32 $0x4000, s31;
	s1 =	sadd.s32 s1, s30  }
0xba: {  	s0 =	sor.u32 s3, s0;
	s1 =	sshll.u32 s1, $0x11  }
0xbb: {  	s0 =	sor.u32 s1, s0  }
0xbc: {  	s0 =	sadd.s32 $0x8F2B, s0  }
0xbd: {  	[sflag:s0] =	ssyncadd.remote.s32 $0x1  }
0xbe: {  	_ =	sfence.sel $0xFFFF  }
0xbf: {  	[dreg:$0x0] =	wrdreg $0xFFFFFFFF;
	(pc) =	sbr.abs _section_cstart, $3  }
0xc0: {  	[dreg:$0x1] =	wrdreg $0xFFFFFFFF  }
0xc1: {  	_ =	task.clear_ibuf [dreg:s7], $0x2FFFF;
	_ =	strace $0x9FFFFFFF  }
0xc2: {  	(tm) =	ssettm $0x7FFFFFFF  }
0xc3: {  	_ =	shalt  }
tec
execute0_lowered:
.L_overlay_start_1:
0x0: {  	(tag) =	ssettag $0x1  }
0x1: {  	s0 =	rddreg [dreg:$0x0]  }
0x2: {  	s1 =	rddreg [dreg:$0x1];
	s3 =	srdreg.scid  }
0x3: {  	s2 =	simm.s32 $0x0;
	s5 =	stileid.u32;
	s10 =	simm.s32 $0x880  }
0x4: {  	s11 =	simm.s32 $0x1080;
	s12 =	simm.s32 $0x1880;
	s13 =	simm.s32 $0x2080  }
0x5: {  	s14 =	simm.s32 $0x2880;
	s15 =	simm.s32 $0x3080;
	s16 =	simm.s32 $0x3880  }
0x6: {  	s17 =	simm.s32 $0x4080;
	s18 =	simm.s32 $0x4880;
	s19 =	simm.s32 $0x5080  }
0x7: {  	s20 =	simm.s32 $0x5880;
	s21 =	simm.s32 $0x6080;
	s22 =	simm.s32 $0x6880  }
0x8: {  	s28 =	simm.s32 $0x9080;
	s29 =	simm.s32 $0x9880;
	s30 =	simm.s32 $0xA080  }
0x9: {  	s31 =	simm.s32 $0xA880;
	s4 =	sand.u32 $0x1, s3;
	[smem:$0x7FF] =	sst s2  }
0xa: {  	s23 =	sshll.u32 s5, $0x6;
	s3 =	sadd.s32 $0x800, s0;
	s6 =	sadd.s32 $0x400, s0  }
0xb: {  	s24 =	sshll.u32 s4, $0x5;
	_ =	strace $0x80000047;
	s4 =	ssub.s32 $0x2, s4  }
0xc: {  	s5 =	sor.u32 s24, s23;
	s9 =	sshrl.u32 s4, $0x1;
	s23 =	simm.s32 $0x7080  }
0xd: {  	s24 =	simm.s32 $0x7880;
	s7 =	smul.u32 $0x300, s5;
	s8 =	sadd.s32 s6, s5  }
0xe: {  	s5 =	sor.u32 $0x10, s5;
	s26 =	ssub.s32 s4, s9;
	s4 =	sadd.s32 $0x900, s0  }
0xf: {  	[dreg:$0x3] =	wrdreg s8;
	s25 =	smul.u32 $0x300, s5;
	s5 =	sadd.s32 s6, s5  }
0x10: {  	s6 =	smax.u32 s26, $0x1;
	s26 =	simm.s32 $0x8880;
	s8 =	simm.s32 $0xB880  }
0x11: {  	v2 =	vlaneseq.u32;
	s7 =	sadd.s32 s1, s7;
	[dreg:$0x5] =	wrdreg s5;
	s5 =	sadd.s32 $0xA00, s0  }
0x12: {  	vm0 =	vmmov $0xffff;
	v1 =	vshrl.u32 v2, $0x3;
	[dreg:$0x4] =	wrdreg s7;
	s1 =	sadd.s32 s1, s25;
	s7 =	simm.s32 $0x2  }
0x13: {  	v0 =	vand.u32 $0x7, v2;
	v2 =	vor.u32 $0x8, v2;
	v1 =	vmul.u32 $0x8, v1;
	s25 =	simm.s32 $0x8080;
	[dreg:$0x6] =	wrdreg s1;
	s1 =	simm.s32 $0x1  }
.LBB2_1:
0x14: {  	s9 =	rddreg [dreg:$0x3]  }
0x15: {  	[tilespmem:s2], [sflag:$0x2] =	stream.linear.gather [hbm4b:s9+s2], $0x80, $0x38;
	[tilespmem:$0x18080] =	vst v63  }
0x16: {  	_ =	swait.ge [sflag:s7], $0x80  }
0x17: {  	[sflag:s7] =	ssyncset.done $0x0  }
0x18: {  	[sflag:s7] =	ssyncadd.s32 $0xFFFFFF80  }
0x19: {  	v3 =	vld [tilespmem:$0x0];
	_ =	sdelay $0x4  }
0x1a: {  	v4 =	vshrl.u32 v3, $0x3  }
0x1b: {  	v4 =	vmul.u32 $0x30, v4  }
0x1c: {  	v3 =	vand.u32 $0x7, v3  }
0x1d: {  	v3 =	vor.u32 v3, v4  }
0x1e: {  	v4 =	vperm.xlane v3, v0;
	_ =	sdelay $0x1  }
0x1f: {  	v4 =	vadd.s32 v1, v4;
	_ =	sdelay $0x3  }
0x20: {  	s0 =	simm.s32 $0x80;
	v3 =	vperm.xlane v3, v2  }
0x21: {  	[tilespmem:s0], [sflag:$0x1] =	stream.indirect_vreg.gather [hbm4b:s3+s2], $0x80, v4, vm0, $0xb8;
	[tilespmem:$0x18080] =	vst v63  }
0x22: {  	v3 =	vadd.s32 v1, v3  }
0x23: {  	[tilespmem:s10], [sflag:$0x1] =	stream.indirect_vreg.gather [hbm4b:s4+s2], $0x80, v4, vm0, $0xb8;
	[tilespmem:$0x18080] =	vst v63  }
0x24: {  	_ = 	snop  }
0x25: {  	[tilespmem:s11], [sflag:$0x1] =	stream.indirect_vreg.gather [hbm4b:s5+s2], $0x80, v4, vm0, $0xb8;
	[tilespmem:$0x18080] =	vst v63  }
0x26: {  	_ = 	snop  }
0x27: {  	[tilespmem:s12], [sflag:$0x1] =	stream.indirect_vreg.gather [hbm4b:s3+s2], $0x80, v3, vm0, $0xb8;
	[tilespmem:$0x18080] =	vst v63  }
0x28: {  	_ = 	snop  }
0x29: {  	[tilespmem:s13], [sflag:$0x1] =	stream.indirect_vreg.gather [hbm4b:s4+s2], $0x80, v3, vm0, $0xb8;
	[tilespmem:$0x18080] =	vst v63  }
0x2a: {  	_ = 	snop  }
0x2b: {  	[tilespmem:s14], [sflag:$0x1] =	stream.indirect_vreg.gather [hbm4b:s5+s2], $0x80, v3, vm0, $0xb8;
	[tilespmem:$0x18080] =	vst v63  }
0x2c: {  	v3 =	vld [tilespmem:$0x10];
	_ =	sdelay $0x4  }
0x2d: {  	v49 =	vshrl.u32 v3, $0x3  }
0x2e: {  	v4 =	vmul.u32 $0x30, v49  }
0x2f: {  	v3 =	vand.u32 $0x7, v3  }
0x30: {  	v3 =	vor.u32 v3, v4  }
0x31: {  	v4 =	vperm.xlane v3, v0;
	_ =	sdelay $0x1  }
0x32: {  	v4 =	vadd.s32 v1, v4;
	_ =	sdelay $0x3  }
0x33: {  	v3 =	vperm.xlane v3, v2  }
0x34: {  	[tilespmem:s15], [sflag:$0x1] =	stream.indirect_vreg.gather [hbm4b:s3+s2], $0x80, v4, vm0, $0xb8;
	[tilespmem:$0x18080] =	vst v63  }
0x35: {  	v3 =	vadd.s32 v1, v3  }
0x36: {  	[tilespmem:s16], [sflag:$0x1] =	stream.indirect_vreg.gather [hbm4b:s4+s2], $0x80, v4, vm0, $0xb8;
	[tilespmem:$0x18080] =	vst v63  }
0x37: {  	_ = 	snop  }
0x38: {  	[tilespmem:s17], [sflag:$0x1] =	stream.indirect_vreg.gather [hbm4b:s5+s2], $0x80, v4, vm0, $0xb8;
	[tilespmem:$0x18080] =	vst v63  }
0x39: {  	_ = 	snop  }
0x3a: {  	[tilespmem:s18], [sflag:$0x1] =	stream.indirect_vreg.gather [hbm4b:s3+s2], $0x80, v3, vm0, $0xb8;
	[tilespmem:$0x18080] =	vst v63  }
0x3b: {  	_ = 	snop  }
0x3c: {  	[tilespmem:s19], [sflag:$0x1] =	stream.indirect_vreg.gather [hbm4b:s4+s2], $0x80, v3, vm0, $0xb8;
	[tilespmem:$0x18080] =	vst v63  }
0x3d: {  	_ = 	snop  }
0x3e: {  	[tilespmem:s20], [sflag:$0x1] =	stream.indirect_vreg.gather [hbm4b:s5+s2], $0x80, v3, vm0, $0xb8;
	[tilespmem:$0x18080] =	vst v63  }
0x3f: {  	v3 =	vld [tilespmem:$0x20];
	_ =	sdelay $0x4  }
0x40: {  	v50 =	vshrl.u32 v3, $0x3  }
0x41: {  	v4 =	vmul.u32 $0x30, v50  }
0x42: {  	v3 =	vand.u32 $0x7, v3  }
0x43: {  	v3 =	vor.u32 v3, v4  }
0x44: {  	v4 =	vperm.xlane v3, v0;
	_ =	sdelay $0x1  }
0x45: {  	v4 =	vadd.s32 v1, v4;
	_ =	sdelay $0x3  }
0x46: {  	v3 =	vperm.xlane v3, v2  }
0x47: {  	[tilespmem:s21], [sflag:$0x1] =	stream.indirect_vreg.gather [hbm4b:s3+s2], $0x80, v4, vm0, $0xb8;
	[tilespmem:$0x18080] =	vst v63  }
0x48: {  	v3 =	vadd.s32 v1, v3  }
0x49: {  	[tilespmem:s22], [sflag:$0x1] =	stream.indirect_vreg.gather [hbm4b:s4+s2], $0x80, v4, vm0, $0xb8;
	[tilespmem:$0x18080] =	vst v63  }
0x4a: {  	_ = 	snop  }
0x4b: {  	[tilespmem:s23], [sflag:$0x1] =	stream.indirect_vreg.gather [hbm4b:s5+s2], $0x80, v4, vm0, $0xb8;
	[tilespmem:$0x18080] =	vst v63  }
0x4c: {  	_ = 	snop  }
0x4d: {  	[tilespmem:s24], [sflag:$0x1] =	stream.indirect_vreg.gather [hbm4b:s3+s2], $0x80, v3, vm0, $0xb8;
	[tilespmem:$0x18080] =	vst v63  }
0x4e: {  	_ = 	snop  }
0x4f: {  	[tilespmem:s25], [sflag:$0x1] =	stream.indirect_vreg.gather [hbm4b:s4+s2], $0x80, v3, vm0, $0xb8;
	[tilespmem:$0x18080] =	vst v63  }
0x50: {  	_ = 	snop  }
0x51: {  	[tilespmem:s26], [sflag:$0x1] =	stream.indirect_vreg.gather [hbm4b:s5+s2], $0x80, v3, vm0, $0xb8;
	[tilespmem:$0x18080] =	vst v63  }
0x52: {  	v3 =	vld [tilespmem:$0x30];
	_ =	sdelay $0x4  }
0x53: {  	v51 =	vshrl.u32 v3, $0x3  }
0x54: {  	v4 =	vmul.u32 $0x30, v51  }
0x55: {  	v3 =	vand.u32 $0x7, v3  }
0x56: {  	v3 =	vor.u32 v3, v4  }
0x57: {  	v4 =	vperm.xlane v3, v0;
	_ =	sdelay $0x1  }
0x58: {  	v4 =	vadd.s32 v1, v4;
	_ =	sdelay $0x3  }
0x59: {  	v3 =	vperm.xlane v3, v2  }
0x5a: {  	[tilespmem:s28], [sflag:$0x1] =	stream.indirect_vreg.gather [hbm4b:s3+s2], $0x80, v4, vm0, $0xb8;
	[tilespmem:$0x18080] =	vst v63  }
0x5b: {  	v3 =	vadd.s32 v1, v3  }
0x5c: {  	[tilespmem:s29], [sflag:$0x1] =	stream.indirect_vreg.gather [hbm4b:s4+s2], $0x80, v4, vm0, $0xb8;
	[tilespmem:$0x18080] =	vst v63  }
0x5d: {  	_ = 	snop  }
0x5e: {  	[tilespmem:s30], [sflag:$0x1] =	stream.indirect_vreg.gather [hbm4b:s5+s2], $0x80, v4, vm0, $0xb8;
	[tilespmem:$0x18080] =	vst v63  }
0x5f: {  	_ = 	snop  }
0x60: {  	[tilespmem:s31], [sflag:$0x1] =	stream.indirect_vreg.gather [hbm4b:s3+s2], $0x80, v3, vm0, $0xb8;
	[tilespmem:$0x18080] =	vst v63  }
0x61: {  	s9 =	simm.s32 $0xB080  }
0x62: {  	[tilespmem:s9], [sflag:$0x1] =	stream.indirect_vreg.gather [hbm4b:s4+s2], $0x80, v3, vm0, $0xb8;
	[tilespmem:$0x18080] =	vst v63  }
0x63: {  	_ = 	snop  }
0x64: {  	[tilespmem:s8], [sflag:$0x1] =	stream.indirect_vreg.gather [hbm4b:s5+s2], $0x80, v3, vm0, $0xb8;
	[tilespmem:$0x18080] =	vst v63  }
0x65: {  	v3 =	vld [tilespmem:$0x40];
	_ =	sdelay $0x4  }
0x66: {  	v52 =	vshrl.u32 v3, $0x3  }
0x67: {  	v4 =	vmul.u32 $0x30, v52  }
0x68: {  	v3 =	vand.u32 $0x7, v3  }
0x69: {  	v3 =	vor.u32 v3, v4  }
0x6a: {  	v4 =	vperm.xlane v3, v0;
	_ =	sdelay $0x1  }
0x6b: {  	v4 =	vadd.s32 v1, v4;
	_ =	sdelay $0x3  }
0x6c: {  	s9 =	simm.s32 $0xC080;
	v3 =	vperm.xlane v3, v2  }
0x6d: {  	[tilespmem:s9], [sflag:$0x1] =	stream.indirect_vreg.gather [hbm4b:s3+s2], $0x80, v4, vm0, $0xb8;
	[tilespmem:$0x18080] =	vst v63  }
0x6e: {  	v3 =	vadd.s32 v1, v3;
	s9 =	simm.s32 $0xC880  }
0x6f: {  	[tilespmem:s9], [sflag:$0x1] =	stream.indirect_vreg.gather [hbm4b:s4+s2], $0x80, v4, vm0, $0xb8;
	[tilespmem:$0x18080] =	vst v63  }
0x70: {  	s9 =	simm.s32 $0xD080  }
0x71: {  	[tilespmem:s9], [sflag:$0x1] =	stream.indirect_vreg.gather [hbm4b:s5+s2], $0x80, v4, vm0, $0xb8;
	[tilespmem:$0x18080] =	vst v63  }
0x72: {  	s9 =	simm.s32 $0xD880  }
0x73: {  	[tilespmem:s9], [sflag:$0x1] =	stream.indirect_vreg.gather [hbm4b:s3+s2], $0x80, v3, vm0, $0xb8;
	[tilespmem:$0x18080] =	vst v63  }
0x74: {  	s9 =	simm.s32 $0xE080  }
0x75: {  	[tilespmem:s9], [sflag:$0x1] =	stream.indirect_vreg.gather [hbm4b:s4+s2], $0x80, v3, vm0, $0xb8;
	[tilespmem:$0x18080] =	vst v63  }
0x76: {  	s9 =	simm.s32 $0xE880  }
0x77: {  	[tilespmem:s9], [sflag:$0x1] =	stream.indirect_vreg.gather [hbm4b:s5+s2], $0x80, v3, vm0, $0xb8;
	[tilespmem:$0x18080] =	vst v63  }
0x78: {  	v3 =	vld [tilespmem:$0x50];
	_ =	sdelay $0x4  }
0x79: {  	v53 =	vshrl.u32 v3, $0x3  }
0x7a: {  	v4 =	vmul.u32 $0x30, v53  }
0x7b: {  	v3 =	vand.u32 $0x7, v3  }
0x7c: {  	v3 =	vor.u32 v3, v4  }
0x7d: {  	v4 =	vperm.xlane v3, v0;
	_ =	sdelay $0x1  }
0x7e: {  	v4 =	vadd.s32 v1, v4;
	_ =	sdelay $0x3  }
0x7f: {  	s9 =	simm.s32 $0xF080;
	v3 =	vperm.xlane v3, v2  }
0x80: {  	[tilespmem:s9], [sflag:$0x1] =	stream.indirect_vreg.gather [hbm4b:s3+s2], $0x80, v4, vm0, $0xb8;
	[tilespmem:$0x18080] =	vst v63  }
0x81: {  	v3 =	vadd.s32 v1, v3;
	s9 =	simm.s32 $0xF880  }
0x82: {  	[tilespmem:s9], [sflag:$0x1] =	stream.indirect_vreg.gather [hbm4b:s4+s2], $0x80, v4, vm0, $0xb8;
	[tilespmem:$0x18080] =	vst v63  }
0x83: {  	s9 =	simm.s32 $0x10080  }
0x84: {  	[tilespmem:s9], [sflag:$0x1] =	stream.indirect_vreg.gather [hbm4b:s5+s2], $0x80, v4, vm0, $0xb8;
	[tilespmem:$0x18080] =	vst v63  }
0x85: {  	s9 =	simm.s32 $0x10880  }
0x86: {  	[tilespmem:s9], [sflag:$0x1] =	stream.indirect_vreg.gather [hbm4b:s3+s2], $0x80, v3, vm0, $0xb8;
	[tilespmem:$0x18080] =	vst v63  }
0x87: {  	s9 =	simm.s32 $0x11080  }
0x88: {  	[tilespmem:s9], [sflag:$0x1] =	stream.indirect_vreg.gather [hbm4b:s4+s2], $0x80, v3, vm0, $0xb8;
	[tilespmem:$0x18080] =	vst v63  }
0x89: {  	s9 =	simm.s32 $0x11880  }
0x8a: {  	[tilespmem:s9], [sflag:$0x1] =	stream.indirect_vreg.gather [hbm4b:s5+s2], $0x80, v3, vm0, $0xb8;
	[tilespmem:$0x18080] =	vst v63  }
0x8b: {  	v3 =	vld [tilespmem:$0x60];
	_ =	sdelay $0x4  }
0x8c: {  	v54 =	vshrl.u32 v3, $0x3  }
0x8d: {  	v4 =	vmul.u32 $0x30, v54  }
0x8e: {  	v3 =	vand.u32 $0x7, v3  }
0x8f: {  	v3 =	vor.u32 v3, v4  }
0x90: {  	v4 =	vperm.xlane v3, v0;
	_ =	sdelay $0x1  }
0x91: {  	v4 =	vadd.s32 v1, v4;
	_ =	sdelay $0x3  }
0x92: {  	s9 =	simm.s32 $0x12080;
	v3 =	vperm.xlane v3, v2  }
0x93: {  	[tilespmem:s9], [sflag:$0x1] =	stream.indirect_vreg.gather [hbm4b:s3+s2], $0x80, v4, vm0, $0xb8;
	[tilespmem:$0x18080] =	vst v63  }
0x94: {  	v3 =	vadd.s32 v1, v3;
	s9 =	simm.s32 $0x12880  }
0x95: {  	[tilespmem:s9], [sflag:$0x1] =	stream.indirect_vreg.gather [hbm4b:s4+s2], $0x80, v4, vm0, $0xb8;
	[tilespmem:$0x18080] =	vst v63  }
0x96: {  	s9 =	simm.s32 $0x13080  }
0x97: {  	[tilespmem:s9], [sflag:$0x1] =	stream.indirect_vreg.gather [hbm4b:s5+s2], $0x80, v4, vm0, $0xb8;
	[tilespmem:$0x18080] =	vst v63  }
0x98: {  	s9 =	simm.s32 $0x13880  }
0x99: {  	[tilespmem:s9], [sflag:$0x1] =	stream.indirect_vreg.gather [hbm4b:s3+s2], $0x80, v3, vm0, $0xb8;
	[tilespmem:$0x18080] =	vst v63  }
0x9a: {  	s9 =	simm.s32 $0x14080  }
0x9b: {  	[tilespmem:s9], [sflag:$0x1] =	stream.indirect_vreg.gather [hbm4b:s4+s2], $0x80, v3, vm0, $0xb8;
	[tilespmem:$0x18080] =	vst v63  }
0x9c: {  	s9 =	simm.s32 $0x14880  }
0x9d: {  	[tilespmem:s9], [sflag:$0x1] =	stream.indirect_vreg.gather [hbm4b:s5+s2], $0x80, v3, vm0, $0xb8;
	[tilespmem:$0x18080] =	vst v63  }
0x9e: {  	v3 =	vld [tilespmem:$0x70];
	_ =	sdelay $0x4  }
0x9f: {  	v55 =	vshrl.u32 v3, $0x3  }
0xa0: {  	v4 =	vmul.u32 $0x30, v55  }
0xa1: {  	v3 =	vand.u32 $0x7, v3  }
0xa2: {  	v3 =	vor.u32 v3, v4  }
0xa3: {  	v4 =	vperm.xlane v3, v0;
	_ =	sdelay $0x1  }
0xa4: {  	v4 =	vadd.s32 v1, v4;
	_ =	sdelay $0x3  }
0xa5: {  	s9 =	simm.s32 $0x15080;
	v3 =	vperm.xlane v3, v2  }
0xa6: {  	[tilespmem:s9], [sflag:$0x1] =	stream.indirect_vreg.gather [hbm4b:s3+s2], $0x80, v4, vm0, $0xb8;
	[tilespmem:$0x18080] =	vst v63  }
0xa7: {  	v3 =	vadd.s32 v1, v3;
	s9 =	simm.s32 $0x15880  }
0xa8: {  	[tilespmem:s9], [sflag:$0x1] =	stream.indirect_vreg.gather [hbm4b:s4+s2], $0x80, v4, vm0, $0xb8;
	[tilespmem:$0x18080] =	vst v63  }
0xa9: {  	s9 =	simm.s32 $0x16080  }
0xaa: {  	[tilespmem:s9], [sflag:$0x1] =	stream.indirect_vreg.gather [hbm4b:s5+s2], $0x80, v4, vm0, $0xb8;
	[tilespmem:$0x18080] =	vst v63  }
0xab: {  	s9 =	simm.s32 $0x16880  }
0xac: {  	[tilespmem:s9], [sflag:$0x1] =	stream.indirect_vreg.gather [hbm4b:s3+s2], $0x80, v3, vm0, $0xb8;
	[tilespmem:$0x18080] =	vst v63  }
0xad: {  	s9 =	simm.s32 $0x17080  }
0xae: {  	[tilespmem:s9], [sflag:$0x1] =	stream.indirect_vreg.gather [hbm4b:s4+s2], $0x80, v3, vm0, $0xb8;
	[tilespmem:$0x18080] =	vst v63  }
0xaf: {  	s9 =	simm.s32 $0x17880  }
0xb0: {  	[tilespmem:s9], [sflag:$0x1] =	stream.indirect_vreg.gather [hbm4b:s5+s2], $0x80, v3, vm0, $0xb8;
	[tilespmem:$0x18080] =	vst v63  }
0xb1: {  	_ =	swait.ge [sflag:s1], $0x18000  }
0xb2: {  	[sflag:s1] =	ssyncset.done $0x0  }
0xb3: {  	s0 =	simm.s32 $0x80;
	s9 =	rddreg [dreg:$0x4];
	[sflag:s1] =	ssyncadd.s32 $0xFFFE8000  }
0xb4: {  	[hbm4b:s9+s2] =	stream.linear.scatter [tilespmem:s0], [sflag:$0x2], $0x18000, $0x38;
	[tilespmem:$0x18080] =	vst v63  }
0xb5: {  	_ =	swait.ge [sflag:s7], $0x18000  }
0xb6: {  	[sflag:s7] =	ssyncset.done $0x0  }
0xb7: {  	s9 =	rddreg [dreg:$0x5];
	[sflag:s7] =	ssyncadd.s32 $0xFFFE8000  }
0xb8: {  	[tilespmem:s2], [sflag:$0x2] =	stream.linear.gather [hbm4b:s9+s2], $0x80, $0x38;
	[tilespmem:$0x18080] =	vst v63  }
0xb9: {  	_ =	swait.ge [sflag:s7], $0x80  }
0xba: {  	[sflag:s7] =	ssyncset.done $0x0  }
0xbb: {  	[sflag:s7] =	ssyncadd.s32 $0xFFFFFF80  }
0xbc: {  	v3 =	vld [tilespmem:$0x0];
	_ =	sdelay $0x4  }
0xbd: {  	v56 =	vshrl.u32 v3, $0x3  }
0xbe: {  	v4 =	vmul.u32 $0x30, v56  }
0xbf: {  	v3 =	vand.u32 $0x7, v3  }
0xc0: {  	v3 =	vor.u32 v3, v4  }
0xc1: {  	v4 =	vperm.xlane v3, v0;
	_ =	sdelay $0x1  }
0xc2: {  	v4 =	vadd.s32 v1, v4;
	_ =	sdelay $0x3  }
0xc3: {  	v3 =	vperm.xlane v3, v2  }
0xc4: {  	[tilespmem:s0], [sflag:$0x1] =	stream.indirect_vreg.gather [hbm4b:s3+s2], $0x80, v4, vm0, $0xb8;
	[tilespmem:$0x18080] =	vst v63  }
0xc5: {  	v3 =	vadd.s32 v1, v3  }
0xc6: {  	[tilespmem:s10], [sflag:$0x1] =	stream.indirect_vreg.gather [hbm4b:s4+s2], $0x80, v4, vm0, $0xb8;
	[tilespmem:$0x18080] =	vst v63  }
0xc7: {  	_ = 	snop  }
0xc8: {  	[tilespmem:s11], [sflag:$0x1] =	stream.indirect_vreg.gather [hbm4b:s5+s2], $0x80, v4, vm0, $0xb8;
	[tilespmem:$0x18080] =	vst v63  }
0xc9: {  	_ = 	snop  }
0xca: {  	[tilespmem:s12], [sflag:$0x1] =	stream.indirect_vreg.gather [hbm4b:s3+s2], $0x80, v3, vm0, $0xb8;
	[tilespmem:$0x18080] =	vst v63  }
0xcb: {  	_ = 	snop  }
0xcc: {  	[tilespmem:s13], [sflag:$0x1] =	stream.indirect_vreg.gather [hbm4b:s4+s2], $0x80, v3, vm0, $0xb8;
	[tilespmem:$0x18080] =	vst v63  }
0xcd: {  	_ = 	snop  }
0xce: {  	[tilespmem:s14], [sflag:$0x1] =	stream.indirect_vreg.gather [hbm4b:s5+s2], $0x80, v3, vm0, $0xb8;
	[tilespmem:$0x18080] =	vst v63  }
0xcf: {  	v3 =	vld [tilespmem:$0x10];
	_ =	sdelay $0x4  }
0xd0: {  	v57 =	vshrl.u32 v3, $0x3  }
0xd1: {  	v4 =	vmul.u32 $0x30, v57  }
0xd2: {  	v3 =	vand.u32 $0x7, v3  }
0xd3: {  	v3 =	vor.u32 v3, v4  }
0xd4: {  	v4 =	vperm.xlane v3, v0;
	_ =	sdelay $0x1  }
0xd5: {  	v4 =	vadd.s32 v1, v4;
	_ =	sdelay $0x3  }
0xd6: {  	v3 =	vperm.xlane v3, v2  }
0xd7: {  	[tilespmem:s15], [sflag:$0x1] =	stream.indirect_vreg.gather [hbm4b:s3+s2], $0x80, v4, vm0, $0xb8;
	[tilespmem:$0x18080] =	vst v63  }
0xd8: {  	v3 =	vadd.s32 v1, v3  }
0xd9: {  	[tilespmem:s16], [sflag:$0x1] =	stream.indirect_vreg.gather [hbm4b:s4+s2], $0x80, v4, vm0, $0xb8;
	[tilespmem:$0x18080] =	vst v63  }
0xda: {  	_ = 	snop  }
0xdb: {  	[tilespmem:s17], [sflag:$0x1] =	stream.indirect_vreg.gather [hbm4b:s5+s2], $0x80, v4, vm0, $0xb8;
	[tilespmem:$0x18080] =	vst v63  }
0xdc: {  	_ = 	snop  }
0xdd: {  	[tilespmem:s18], [sflag:$0x1] =	stream.indirect_vreg.gather [hbm4b:s3+s2], $0x80, v3, vm0, $0xb8;
	[tilespmem:$0x18080] =	vst v63  }
0xde: {  	_ = 	snop  }
0xdf: {  	[tilespmem:s19], [sflag:$0x1] =	stream.indirect_vreg.gather [hbm4b:s4+s2], $0x80, v3, vm0, $0xb8;
	[tilespmem:$0x18080] =	vst v63  }
0xe0: {  	_ = 	snop  }
0xe1: {  	[tilespmem:s20], [sflag:$0x1] =	stream.indirect_vreg.gather [hbm4b:s5+s2], $0x80, v3, vm0, $0xb8;
	[tilespmem:$0x18080] =	vst v63  }
0xe2: {  	v3 =	vld [tilespmem:$0x20];
	_ =	sdelay $0x4  }
0xe3: {  	v58 =	vshrl.u32 v3, $0x3  }
0xe4: {  	v4 =	vmul.u32 $0x30, v58  }
0xe5: {  	v3 =	vand.u32 $0x7, v3  }
0xe6: {  	v3 =	vor.u32 v3, v4  }
0xe7: {  	v4 =	vperm.xlane v3, v0;
	_ =	sdelay $0x1  }
0xe8: {  	v4 =	vadd.s32 v1, v4;
	_ =	sdelay $0x3  }
0xe9: {  	v3 =	vperm.xlane v3, v2  }
0xea: {  	[tilespmem:s21], [sflag:$0x1] =	stream.indirect_vreg.gather [hbm4b:s3+s2], $0x80, v4, vm0, $0xb8;
	[tilespmem:$0x18080] =	vst v63  }
0xeb: {  	v3 =	vadd.s32 v1, v3  }
0xec: {  	[tilespmem:s22], [sflag:$0x1] =	stream.indirect_vreg.gather [hbm4b:s4+s2], $0x80, v4, vm0, $0xb8;
	[tilespmem:$0x18080] =	vst v63  }
0xed: {  	_ = 	snop  }
0xee: {  	[tilespmem:s23], [sflag:$0x1] =	stream.indirect_vreg.gather [hbm4b:s5+s2], $0x80, v4, vm0, $0xb8;
	[tilespmem:$0x18080] =	vst v63  }
0xef: {  	_ = 	snop  }
0xf0: {  	[tilespmem:s24], [sflag:$0x1] =	stream.indirect_vreg.gather [hbm4b:s3+s2], $0x80, v3, vm0, $0xb8;
	[tilespmem:$0x18080] =	vst v63  }
0xf1: {  	_ = 	snop  }
0xf2: {  	[tilespmem:s25], [sflag:$0x1] =	stream.indirect_vreg.gather [hbm4b:s4+s2], $0x80, v3, vm0, $0xb8;
	[tilespmem:$0x18080] =	vst v63  }
0xf3: {  	_ = 	snop  }
0xf4: {  	[tilespmem:s26], [sflag:$0x1] =	stream.indirect_vreg.gather [hbm4b:s5+s2], $0x80, v3, vm0, $0xb8;
	[tilespmem:$0x18080] =	vst v63  }
0xf5: {  	v3 =	vld [tilespmem:$0x30];
	_ =	sdelay $0x4  }
0xf6: {  	v59 =	vshrl.u32 v3, $0x3  }
0xf7: {  	v4 =	vmul.u32 $0x30, v59  }
0xf8: {  	v3 =	vand.u32 $0x7, v3  }
0xf9: {  	v3 =	vor.u32 v3, v4  }
0xfa: {  	v4 =	vperm.xlane v3, v0;
	_ =	sdelay $0x1  }
0xfb: {  	v4 =	vadd.s32 v1, v4;
	_ =	sdelay $0x3  }
0xfc: {  	v3 =	vperm.xlane v3, v2  }
0xfd: {  	[tilespmem:s28], [sflag:$0x1] =	stream.indirect_vreg.gather [hbm4b:s3+s2], $0x80, v4, vm0, $0xb8;
	[tilespmem:$0x18080] =	vst v63  }
0xfe: {  	v3 =	vadd.s32 v1, v3  }
0xff: {  	[tilespmem:s29], [sflag:$0x1] =	stream.indirect_vreg.gather [hbm4b:s4+s2], $0x80, v4, vm0, $0xb8;
	[tilespmem:$0x18080] =	vst v63  }
0x100: {  	_ = 	snop  }
0x101: {  	[tilespmem:s30], [sflag:$0x1] =	stream.indirect_vreg.gather [hbm4b:s5+s2], $0x80, v4, vm0, $0xb8;
	[tilespmem:$0x18080] =	vst v63  }
0x102: {  	_ = 	snop  }
0x103: {  	[tilespmem:s31], [sflag:$0x1] =	stream.indirect_vreg.gather [hbm4b:s3+s2], $0x80, v3, vm0, $0xb8;
	[tilespmem:$0x18080] =	vst v63  }
0x104: {  	s9 =	simm.s32 $0xB080  }
0x105: {  	[tilespmem:s9], [sflag:$0x1] =	stream.indirect_vreg.gather [hbm4b:s4+s2], $0x80, v3, vm0, $0xb8;
	[tilespmem:$0x18080] =	vst v63  }
0x106: {  	_ = 	snop  }
0x107: {  	[tilespmem:s8], [sflag:$0x1] =	stream.indirect_vreg.gather [hbm4b:s5+s2], $0x80, v3, vm0, $0xb8;
	[tilespmem:$0x18080] =	vst v63  }
0x108: {  	v3 =	vld [tilespmem:$0x40];
	_ =	sdelay $0x4  }
0x109: {  	v60 =	vshrl.u32 v3, $0x3  }
0x10a: {  	v4 =	vmul.u32 $0x30, v60  }
0x10b: {  	v3 =	vand.u32 $0x7, v3  }
0x10c: {  	v3 =	vor.u32 v3, v4  }
0x10d: {  	v4 =	vperm.xlane v3, v0;
	_ =	sdelay $0x1  }
0x10e: {  	v4 =	vadd.s32 v1, v4;
	_ =	sdelay $0x3  }
0x10f: {  	s9 =	simm.s32 $0xC080;
	v3 =	vperm.xlane v3, v2  }
0x110: {  	[tilespmem:s9], [sflag:$0x1] =	stream.indirect_vreg.gather [hbm4b:s3+s2], $0x80, v4, vm0, $0xb8;
	[tilespmem:$0x18080] =	vst v63  }
0x111: {  	v3 =	vadd.s32 v1, v3;
	s9 =	simm.s32 $0xC880  }
0x112: {  	[tilespmem:s9], [sflag:$0x1] =	stream.indirect_vreg.gather [hbm4b:s4+s2], $0x80, v4, vm0, $0xb8;
	[tilespmem:$0x18080] =	vst v63  }
0x113: {  	s9 =	simm.s32 $0xD080  }
0x114: {  	[tilespmem:s9], [sflag:$0x1] =	stream.indirect_vreg.gather [hbm4b:s5+s2], $0x80, v4, vm0, $0xb8;
	[tilespmem:$0x18080] =	vst v63  }
0x115: {  	s9 =	simm.s32 $0xD880  }
0x116: {  	[tilespmem:s9], [sflag:$0x1] =	stream.indirect_vreg.gather [hbm4b:s3+s2], $0x80, v3, vm0, $0xb8;
	[tilespmem:$0x18080] =	vst v63  }
0x117: {  	s9 =	simm.s32 $0xE080  }
0x118: {  	[tilespmem:s9], [sflag:$0x1] =	stream.indirect_vreg.gather [hbm4b:s4+s2], $0x80, v3, vm0, $0xb8;
	[tilespmem:$0x18080] =	vst v63  }
0x119: {  	s9 =	simm.s32 $0xE880  }
0x11a: {  	[tilespmem:s9], [sflag:$0x1] =	stream.indirect_vreg.gather [hbm4b:s5+s2], $0x80, v3, vm0, $0xb8;
	[tilespmem:$0x18080] =	vst v63  }
0x11b: {  	v3 =	vld [tilespmem:$0x50];
	_ =	sdelay $0x4  }
0x11c: {  	v61 =	vshrl.u32 v3, $0x3  }
0x11d: {  	v4 =	vmul.u32 $0x30, v61  }
0x11e: {  	v3 =	vand.u32 $0x7, v3  }
0x11f: {  	v3 =	vor.u32 v3, v4  }
0x120: {  	v4 =	vperm.xlane v3, v0;
	_ =	sdelay $0x1  }
0x121: {  	v4 =	vadd.s32 v1, v4;
	_ =	sdelay $0x3  }
0x122: {  	s9 =	simm.s32 $0xF080;
	v3 =	vperm.xlane v3, v2  }
0x123: {  	[tilespmem:s9], [sflag:$0x1] =	stream.indirect_vreg.gather [hbm4b:s3+s2], $0x80, v4, vm0, $0xb8;
	[tilespmem:$0x18080] =	vst v63  }
0x124: {  	v3 =	vadd.s32 v1, v3;
	s9 =	simm.s32 $0xF880  }
0x125: {  	[tilespmem:s9], [sflag:$0x1] =	stream.indirect_vreg.gather [hbm4b:s4+s2], $0x80, v4, vm0, $0xb8;
	[tilespmem:$0x18080] =	vst v63  }
0x126: {  	s9 =	simm.s32 $0x10080  }
0x127: {  	[tilespmem:s9], [sflag:$0x1] =	stream.indirect_vreg.gather [hbm4b:s5+s2], $0x80, v4, vm0, $0xb8;
	[tilespmem:$0x18080] =	vst v63  }
0x128: {  	s9 =	simm.s32 $0x10880  }
0x129: {  	[tilespmem:s9], [sflag:$0x1] =	stream.indirect_vreg.gather [hbm4b:s3+s2], $0x80, v3, vm0, $0xb8;
	[tilespmem:$0x18080] =	vst v63  }
0x12a: {  	s9 =	simm.s32 $0x11080  }
0x12b: {  	[tilespmem:s9], [sflag:$0x1] =	stream.indirect_vreg.gather [hbm4b:s4+s2], $0x80, v3, vm0, $0xb8;
	[tilespmem:$0x18080] =	vst v63  }
0x12c: {  	s9 =	simm.s32 $0x11880  }
0x12d: {  	[tilespmem:s9], [sflag:$0x1] =	stream.indirect_vreg.gather [hbm4b:s5+s2], $0x80, v3, vm0, $0xb8;
	[tilespmem:$0x18080] =	vst v63  }
0x12e: {  	v3 =	vld [tilespmem:$0x60];
	_ =	sdelay $0x4  }
0x12f: {  	v62 =	vshrl.u32 v3, $0x3  }
0x130: {  	v4 =	vmul.u32 $0x30, v62  }
0x131: {  	v3 =	vand.u32 $0x7, v3  }
0x132: {  	v3 =	vor.u32 v3, v4  }
0x133: {  	v4 =	vperm.xlane v3, v0;
	_ =	sdelay $0x1  }
0x134: {  	v4 =	vadd.s32 v1, v4;
	_ =	sdelay $0x3  }
0x135: {  	s9 =	simm.s32 $0x12080;
	v3 =	vperm.xlane v3, v2  }
0x136: {  	[tilespmem:s9], [sflag:$0x1] =	stream.indirect_vreg.gather [hbm4b:s3+s2], $0x80, v4, vm0, $0xb8;
	[tilespmem:$0x18080] =	vst v63  }
0x137: {  	v3 =	vadd.s32 v1, v3;
	s9 =	simm.s32 $0x12880  }
0x138: {  	[tilespmem:s9], [sflag:$0x1] =	stream.indirect_vreg.gather [hbm4b:s4+s2], $0x80, v4, vm0, $0xb8;
	[tilespmem:$0x18080] =	vst v63  }
0x139: {  	s9 =	simm.s32 $0x13080  }
0x13a: {  	[tilespmem:s9], [sflag:$0x1] =	stream.indirect_vreg.gather [hbm4b:s5+s2], $0x80, v4, vm0, $0xb8;
	[tilespmem:$0x18080] =	vst v63  }
0x13b: {  	s9 =	simm.s32 $0x13880  }
0x13c: {  	[tilespmem:s9], [sflag:$0x1] =	stream.indirect_vreg.gather [hbm4b:s3+s2], $0x80, v3, vm0, $0xb8;
	[tilespmem:$0x18080] =	vst v63  }
0x13d: {  	s9 =	simm.s32 $0x14080  }
0x13e: {  	[tilespmem:s9], [sflag:$0x1] =	stream.indirect_vreg.gather [hbm4b:s4+s2], $0x80, v3, vm0, $0xb8;
	[tilespmem:$0x18080] =	vst v63  }
0x13f: {  	s9 =	simm.s32 $0x14880  }
0x140: {  	[tilespmem:s9], [sflag:$0x1] =	stream.indirect_vreg.gather [hbm4b:s5+s2], $0x80, v3, vm0, $0xb8;
	[tilespmem:$0x18080] =	vst v63  }
0x141: {  	v3 =	vld [tilespmem:$0x70];
	_ =	sdelay $0x4  }
0x142: {  	v63 =	vshrl.u32 v3, $0x3  }
0x143: {  	v4 =	vmul.u32 $0x30, v63  }
0x144: {  	v3 =	vand.u32 $0x7, v3  }
0x145: {  	v3 =	vor.u32 v3, v4  }
0x146: {  	v4 =	vperm.xlane v3, v0;
	_ =	sdelay $0x1  }
0x147: {  	v4 =	vadd.s32 v1, v4;
	_ =	sdelay $0x3  }
0x148: {  	s9 =	simm.s32 $0x15080;
	v3 =	vperm.xlane v3, v2  }
0x149: {  	[tilespmem:s9], [sflag:$0x1] =	stream.indirect_vreg.gather [hbm4b:s3+s2], $0x80, v4, vm0, $0xb8;
	[tilespmem:$0x18080] =	vst v63  }
0x14a: {  	v3 =	vadd.s32 v1, v3;
	s9 =	simm.s32 $0x15880  }
0x14b: {  	[tilespmem:s9], [sflag:$0x1] =	stream.indirect_vreg.gather [hbm4b:s4+s2], $0x80, v4, vm0, $0xb8;
	[tilespmem:$0x18080] =	vst v63  }
0x14c: {  	s9 =	simm.s32 $0x16080  }
0x14d: {  	[tilespmem:s9], [sflag:$0x1] =	stream.indirect_vreg.gather [hbm4b:s5+s2], $0x80, v4, vm0, $0xb8;
	[tilespmem:$0x18080] =	vst v63  }
0x14e: {  	s9 =	simm.s32 $0x16880  }
0x14f: {  	[tilespmem:s9], [sflag:$0x1] =	stream.indirect_vreg.gather [hbm4b:s3+s2], $0x80, v3, vm0, $0xb8;
	[tilespmem:$0x18080] =	vst v63  }
0x150: {  	s9 =	simm.s32 $0x17080  }
0x151: {  	[tilespmem:s9], [sflag:$0x1] =	stream.indirect_vreg.gather [hbm4b:s4+s2], $0x80, v3, vm0, $0xb8;
	[tilespmem:$0x18080] =	vst v63  }
0x152: {  	s9 =	simm.s32 $0x17880  }
0x153: {  	[tilespmem:s9], [sflag:$0x1] =	stream.indirect_vreg.gather [hbm4b:s5+s2], $0x80, v3, vm0, $0xb8;
	[tilespmem:$0x18080] =	vst v63  }
0x154: {  	_ =	swait.ge [sflag:s1], $0x18000  }
0x155: {  	p0 =	sne.s32 s6, $0x1;
	s0 =	simm.s32 $0x80;
	[sflag:s1] =	ssyncset.done $0x0  }
.Ltmp0:
0x156: {  	s9 =	rddreg [dreg:$0x6];
	[sflag:s1] =	ssyncadd.s32 $0xFFFE8000;
	(pc) =	sbr.rel @p0 .LBB2_1-.Ltmp0, $4  }
0x157: {  	[hbm4b:s9+s2] =	stream.linear.scatter [tilespmem:s0], [sflag:$0x2], $0x18000, $0x38;
	[tilespmem:$0x18080] =	vst v63  }
0x158: {  	_ =	swait.ge [sflag:s7], $0x18000  }
0x159: {  	[sflag:s7] =	ssyncset.done $0x0  }
0x15a: {  	s6 =	sadd.s32 $0xFFFFFFFF, s6;
	[sflag:s7] =	ssyncadd.s32 $0xFFFE8000  }
0x15b: {  	_ =	sfence.sel $0x180000  }
0x15c: {  	[bflag:$0x0] =	sbarrier.arrive $0xFFFF  }
0x15d: {  	_ =	strace $0x90000047  }
0x15e: {  	s0 =	stileid.u32;
	[bflag:$0x2] =	sbarrier.arrive $0xFFFF  }
0x15f: {  	p0 =	sne.s32 s0, $0x0;
	s0 =	rddreg [dreg:$0x2]  }
0x160: {  	s0 =	sadd.s32 @!p0 $0x100000, s0  }
0x161: {  	[sflag:s0] =	ssyncadd.tile.s32 @!p0 $0x1;
	_ =	shalt  }
.Lfunc_end2:
_tile_overlayer_lowered:
.L_overlay_start_2:
0x162: {  	(tag) =	ssettag $0x2  }
0x163: {  	s0 =	rddreg [dreg:$0x0];
	s2 =	stileid.u32  }
0x164: {  	s1 =	rddreg [dreg:$0x1];
	p0 =	sne.s32 s2, $0x0  }
0x165: {  	s3 =	rddreg [dreg:$0x2];
	[bflag:$0x3] =	sbarrier.arrive $0xFFFF;
	s2 =	simm.s32 @!p0 $0x1C02  }
0x166: {  	[timem:s3], [sflag:s2] =	dma.local @!p0 [hbm:s0], s1  }
0x167: {  	s0 =	simm.s32 @!p0 $0x2  }
0x168: {  	_ =	swait.ge @!p0 [sflag:s0], s1  }
0x169: {  	s1 =	ssub.s32 @!p0 $0x0, s1;
	[sflag:s0] =	ssyncset.done @!p0 $0x0  }
0x16a: {  	[sflag:s0] =	ssyncadd.s32 @!p0 s1  }
0x16b: {  	[bflag:$0x3] =	sbarrier.arrive $0xFFFF  }
0x16c: {  	_ =	shalt  }

</sc_bundles>
